<compile_context>
chip_gen: v7x
topology: tpu7x:2x2x1
jax: 0.10.2.dev20260603
libtpu: 0.0.44.dev20260713+nightly
codegen_flags: <defaults>
</compile_context>

<pallas_src>
import functools

import jax
import jax.numpy as jnp
from jax.experimental import pallas as pl
from jax.experimental.pallas import tpu as pltpu
from jax.experimental.pallas import tpu_sc as plsc


def _selector_sc(B, S, D, dtype):
    mesh = plsc.ScalarSubcoreMesh(axis_name="c", num_cores=1)

    @functools.partial(
        pl.kernel,
        mesh=mesh,
        out_type=jax.ShapeDtypeStruct((B, D), dtype),
        scratch_types=[
            pltpu.SMEM((B,), jnp.int32),
            pltpu.SemaphoreType.DMA,
        ],
    )
    def gather_kernel(x_hbm, idx_hbm, out_hbm, idx_s, sem):
        pltpu.sync_copy(idx_hbm, idx_s)
        copies = []
        for b in range(B):
            copies.append(
                pltpu.make_async_copy(
                    x_hbm.at[pl.ds(idx_s[b] + b * S, 1)],
                    out_hbm.at[pl.ds(b, 1)],
                    sem,
                )
            )
        for c in copies:
            c.start()
        for c in copies:
            c.wait()

    return gather_kernel


def kernel(x, idx):
    B, S, D = x.shape
    x_flat = x.reshape(B * S, D)
    return _selector_sc(B, S, D, x.dtype)(x_flat, idx.astype(jnp.int32))

# --- scband reference (transcript-rebuilt; emitter-appended) ---
"""Pipeline reference for scband-selector-8718783611198 (READ-ONLY COPY).

The authoritative reference and input builder live on the scoring server;
editing this copy changes nothing except your own understanding.
"""

import jax, jax.numpy as jnp
import numpy as np


def setup_inputs(seed: int = 0) -> dict:
    key = jax.random.key(seed)
    k1, k2 = jax.random.split(key)
    B, S, D = 4, 8192, 2048
    x = jax.random.normal(k1, (B, S, D), dtype=jnp.float32)
    idx = jax.random.randint(k2, (B,), 0, S, dtype=jnp.int64 if jax.config.jax_enable_x64 else jnp.int32)
    return {"x": x, "idx": idx}


def reference(x, idx):
    # Faithful translation of Selector.forward in training mode:
    # idx = torch.randint(x.shape[1], (x.shape[0],))  -> randomness externalized as input `idx`
    # selected = x[torch.arange(x.shape[0]), idx, :]
    B = x.shape[0]
    selected = x[jnp.arange(B), idx, :]
    return selected

if __name__ == "__main__":
    import jax
    _d = setup_inputs()
    print(jax.jit(kernel)(*tuple(_d.values())))

</pallas_src>

<mosaic_0001>
#map = affine_map<(d0) -> (0, 0)>
#map1 = affine_map<(d0) -> (0)>
module attributes {stable_mosaic.version = 14 : i64} {
  func.func @gather_kernel(%arg0: i32, %arg1: memref<32768x2048xf32, #tpu.memory_space<hbm>>, %arg2: memref<4xi32, #tpu.memory_space<hbm>>, %arg3: memref<4x2048xf32, #tpu.memory_space<hbm>>, %arg4: memref<4xi32, #tpu.memory_space<smem>>, %arg5: memref<!tpu.dma_semaphore, #tpu.memory_space<semaphore_mem>>) attributes {dimension_semantics = [#tpu.dimension_semantics<core_parallel>], iteration_bounds = array<i64: 1>, scalar_prefetch = 0 : i64, scratch_operands = 2 : i64, tpu.core_type = #tpu.core_type<sc_scalar_subcore>, window_params = [{transform_indices = #map}, {transform_indices = #map1}, {transform_indices = #map}]} {
    "tpu.region"() ({
      %run_scoped3A = tpu.sem_alloc : memref<!tpu.dma_semaphore, #tpu.memory_space<semaphore_mem>>
      tpu.enqueue_dma source(%arg2 : memref<4xi32, #tpu.memory_space<hbm>>) target(%arg4 : memref<4xi32, #tpu.memory_space<smem>>) target_semaphore(%run_scoped3A : memref<!tpu.dma_semaphore, #tpu.memory_space<semaphore_mem>>)
      tpu.wait_dma2 semaphore(%run_scoped3A : memref<!tpu.dma_semaphore, #tpu.memory_space<semaphore_mem>>) src(%arg2 : memref<4xi32, #tpu.memory_space<hbm>>) dst(%arg4 : memref<4xi32, #tpu.memory_space<smem>>)
      tpu.yield
    }) : () -> ()
    %get3A = arith.constant 0 : i32
    %get3A_0 = arith.index_cast %get3A : i32 to index
    %get3A_1 = memref.load %arg4[%get3A_0] : memref<4xi32, #tpu.memory_space<smem>>
    %add3A = arith.constant 0 : i32
    %add3A_2 = arith.addi %get3A_1, %add3A : i32
    %get3A_3 = arith.constant 1 : i32
    %get3A_4 = arith.index_cast %get3A_3 : i32 to index
    %get3A_5 = memref.load %arg4[%get3A_4] : memref<4xi32, #tpu.memory_space<smem>>
    %add3A_6 = arith.constant 8192 : i32
    %add3A_7 = arith.addi %get3A_5, %add3A_6 : i32
    %get3A_8 = arith.constant 2 : i32
    %get3A_9 = arith.index_cast %get3A_8 : i32 to index
    %get3A_10 = memref.load %arg4[%get3A_9] : memref<4xi32, #tpu.memory_space<smem>>
    %add3A_11 = arith.constant 16384 : i32
    %add3A_12 = arith.addi %get3A_10, %add3A_11 : i32
    %get3A_13 = arith.constant 3 : i32
    %get3A_14 = arith.index_cast %get3A_13 : i32 to index
    %get3A_15 = memref.load %arg4[%get3A_14] : memref<4xi32, #tpu.memory_space<smem>>
    %add3A_16 = arith.constant 24576 : i32
    %add3A_17 = arith.addi %get3A_15, %add3A_16 : i32
    %dma_start3A = arith.constant 0 : i32
    %dma_start3A_18 = arith.constant 0 : i32
    %dma_start3A_19 = tpu.memref_slice %arg3[%dma_start3A, %dma_start3A_18] : memref<4x2048xf32, #tpu.memory_space<hbm>> -> memref<1x2048xf32, #tpu.memory_space<hbm>>
    %dma_start3A_20 = arith.constant 0 : i32
    %dma_start3A_21 = tpu.memref_slice %arg1[%add3A_2, %dma_start3A_20] : memref<32768x2048xf32, #tpu.memory_space<hbm>> -> memref<1x2048xf32, #tpu.memory_space<hbm>>
    tpu.enqueue_dma source(%dma_start3A_21 : memref<1x2048xf32, #tpu.memory_space<hbm>>) target(%dma_start3A_19 : memref<1x2048xf32, #tpu.memory_space<hbm>>) target_semaphore(%arg5 : memref<!tpu.dma_semaphore, #tpu.memory_space<semaphore_mem>>)
    %dma_start3A_22 = arith.constant 1 : i32
    %dma_start3A_23 = arith.constant 0 : i32
    %dma_start3A_24 = tpu.memref_slice %arg3[%dma_start3A_22, %dma_start3A_23] : memref<4x2048xf32, #tpu.memory_space<hbm>> -> memref<1x2048xf32, #tpu.memory_space<hbm>>
    %dma_start3A_25 = arith.constant 0 : i32
    %dma_start3A_26 = tpu.memref_slice %arg1[%add3A_7, %dma_start3A_25] : memref<32768x2048xf32, #tpu.memory_space<hbm>> -> memref<1x2048xf32, #tpu.memory_space<hbm>>
    tpu.enqueue_dma source(%dma_start3A_26 : memref<1x2048xf32, #tpu.memory_space<hbm>>) target(%dma_start3A_24 : memref<1x2048xf32, #tpu.memory_space<hbm>>) target_semaphore(%arg5 : memref<!tpu.dma_semaphore, #tpu.memory_space<semaphore_mem>>)
    %dma_start3A_27 = arith.constant 2 : i32
    %dma_start3A_28 = arith.constant 0 : i32
    %dma_start3A_29 = tpu.memref_slice %arg3[%dma_start3A_27, %dma_start3A_28] : memref<4x2048xf32, #tpu.memory_space<hbm>> -> memref<1x2048xf32, #tpu.memory_space<hbm>>
    %dma_start3A_30 = arith.constant 0 : i32
    %dma_start3A_31 = tpu.memref_slice %arg1[%add3A_12, %dma_start3A_30] : memref<32768x2048xf32, #tpu.memory_space<hbm>> -> memref<1x2048xf32, #tpu.memory_space<hbm>>
    tpu.enqueue_dma source(%dma_start3A_31 : memref<1x2048xf32, #tpu.memory_space<hbm>>) target(%dma_start3A_29 : memref<1x2048xf32, #tpu.memory_space<hbm>>) target_semaphore(%arg5 : memref<!tpu.dma_semaphore, #tpu.memory_space<semaphore_mem>>)
    %dma_start3A_32 = arith.constant 3 : i32
    %dma_start3A_33 = arith.constant 0 : i32
    %dma_start3A_34 = tpu.memref_slice %arg3[%dma_start3A_32, %dma_start3A_33] : memref<4x2048xf32, #tpu.memory_space<hbm>> -> memref<1x2048xf32, #tpu.memory_space<hbm>>
    %dma_start3A_35 = arith.constant 0 : i32
    %dma_start3A_36 = tpu.memref_slice %arg1[%add3A_17, %dma_start3A_35] : memref<32768x2048xf32, #tpu.memory_space<hbm>> -> memref<1x2048xf32, #tpu.memory_space<hbm>>
    tpu.enqueue_dma source(%dma_start3A_36 : memref<1x2048xf32, #tpu.memory_space<hbm>>) target(%dma_start3A_34 : memref<1x2048xf32, #tpu.memory_space<hbm>>) target_semaphore(%arg5 : memref<!tpu.dma_semaphore, #tpu.memory_space<semaphore_mem>>)
    %dma_wait3A = arith.constant 0 : i32
    %dma_wait3A_37 = arith.constant 0 : i32
    %dma_wait3A_38 = tpu.memref_slice %arg3[%dma_wait3A, %dma_wait3A_37] : memref<4x2048xf32, #tpu.memory_space<hbm>> -> memref<1x2048xf32, #tpu.memory_space<hbm>>
    %dma_wait3A_39 = arith.constant 0 : i32
    %dma_wait3A_40 = tpu.memref_slice %arg1[%add3A_2, %dma_wait3A_39] : memref<32768x2048xf32, #tpu.memory_space<hbm>> -> memref<1x2048xf32, #tpu.memory_space<hbm>>
    tpu.wait_dma2 semaphore(%arg5 : memref<!tpu.dma_semaphore, #tpu.memory_space<semaphore_mem>>) src(%dma_wait3A_40 : memref<1x2048xf32, #tpu.memory_space<hbm>>) dst(%dma_wait3A_38 : memref<1x2048xf32, #tpu.memory_space<hbm>>)
    %dma_wait3A_41 = arith.constant 1 : i32
    %dma_wait3A_42 = arith.constant 0 : i32
    %dma_wait3A_43 = tpu.memref_slice %arg3[%dma_wait3A_41, %dma_wait3A_42] : memref<4x2048xf32, #tpu.memory_space<hbm>> -> memref<1x2048xf32, #tpu.memory_space<hbm>>
    %dma_wait3A_44 = arith.constant 0 : i32
    %dma_wait3A_45 = tpu.memref_slice %arg1[%add3A_7, %dma_wait3A_44] : memref<32768x2048xf32, #tpu.memory_space<hbm>> -> memref<1x2048xf32, #tpu.memory_space<hbm>>
    tpu.wait_dma2 semaphore(%arg5 : memref<!tpu.dma_semaphore, #tpu.memory_space<semaphore_mem>>) src(%dma_wait3A_45 : memref<1x2048xf32, #tpu.memory_space<hbm>>) dst(%dma_wait3A_43 : memref<1x2048xf32, #tpu.memory_space<hbm>>)
    %dma_wait3A_46 = arith.constant 2 : i32
    %dma_wait3A_47 = arith.constant 0 : i32
    %dma_wait3A_48 = tpu.memref_slice %arg3[%dma_wait3A_46, %dma_wait3A_47] : memref<4x2048xf32, #tpu.memory_space<hbm>> -> memref<1x2048xf32, #tpu.memory_space<hbm>>
    %dma_wait3A_49 = arith.constant 0 : i32
    %dma_wait3A_50 = tpu.memref_slice %arg1[%add3A_12, %dma_wait3A_49] : memref<32768x2048xf32, #tpu.memory_space<hbm>> -> memref<1x2048xf32, #tpu.memory_space<hbm>>
    tpu.wait_dma2 semaphore(%arg5 : memref<!tpu.dma_semaphore, #tpu.memory_space<semaphore_mem>>) src(%dma_wait3A_50 : memref<1x2048xf32, #tpu.memory_space<hbm>>) dst(%dma_wait3A_48 : memref<1x2048xf32, #tpu.memory_space<hbm>>)
    %dma_wait3A_51 = arith.constant 3 : i32
    %dma_wait3A_52 = arith.constant 0 : i32
    %dma_wait3A_53 = tpu.memref_slice %arg3[%dma_wait3A_51, %dma_wait3A_52] : memref<4x2048xf32, #tpu.memory_space<hbm>> -> memref<1x2048xf32, #tpu.memory_space<hbm>>
    %dma_wait3A_54 = arith.constant 0 : i32
    %dma_wait3A_55 = tpu.memref_slice %arg1[%add3A_17, %dma_wait3A_54] : memref<32768x2048xf32, #tpu.memory_space<hbm>> -> memref<1x2048xf32, #tpu.memory_space<hbm>>
    tpu.wait_dma2 semaphore(%arg5 : memref<!tpu.dma_semaphore, #tpu.memory_space<semaphore_mem>>) src(%dma_wait3A_55 : memref<1x2048xf32, #tpu.memory_space<hbm>>) dst(%dma_wait3A_53 : memref<1x2048xf32, #tpu.memory_space<hbm>>)
    return
  }
}

</mosaic_0001>

<sc_bundles>
// kernel: kernel.3.cloned.1.call-start
scs
__scs_entry_jumppad:
0x0: {  	(pc) =	sbr.rel $0x88, $3  }
0x1: {  	(tag) =	ssettag $0x0;
	lr =	simm.s32 $0x1  }
0x2: {  	[smem:$0x3F9F] =	sst lr;
	_ =	strace $0xD0000000  }
0x3: {  	_ = 	snop  }
0x4: {  	_ = 	snop  }
0x5: {  	_ = 	snop  }
0x6: {  	_ = 	snop  }
0x7: {  	_ = 	snop  }
__scs_overlays_trampoline_lowered:
0x8: {  	[smem:$0x3FAE] =	sst s0  }
0x9: {  	[smem:$0x3FAF] =	sst s1  }
0xa: {  	[smem:$0x3FB0] =	sst s2  }
0xb: {  	[smem:$0x3FB1] =	sst s3  }
0xc: {  	[smem:$0x3FB2] =	sst s4  }
0xd: {  	[smem:$0x3FB3] =	sst s5  }
0xe: {  	[smem:$0x3FB4] =	sst s6  }
0xf: {  	[smem:$0x3FB5] =	sst s7  }
0x10: {  	[smem:$0x3FB6] =	sst s8  }
0x11: {  	[smem:$0x3FB7] =	sst s9;
	s0 =	simm.s32 @!p0 $0x0  }
0x12: {  	s1 =	sld [smem:$0x3F9D];
	s0 =	simm.s32 @p0 $0x1  }
0x13: {  	[smem:$0x3FB8] =	sst s0;
	s0 =	simm.s32 @!p1 $0x0  }
0x14: {  	s2 =	sld [smem:$0x3F9C];
	s0 =	simm.s32 @p1 $0x1  }
0x15: {  	[smem:$0x3FB9] =	sst s0;
	s0 =	simm.s32 @!p2 $0x0  }
0x16: {  	s3 =	sld [smem:$0x3FDB];
	s0 =	simm.s32 @p2 $0x1  }
0x17: {  	s4 =	simm.s32 $0x1BF5;
	[smem:$0x3FBB] =	sst s0  }
0x18: {  	s0 =	sld [smem:$0x3F9E];
	_ =	swait.ge [sflag:s4], $0x0  }
0x19: {  	s7 =	sld [smem:$0x3F9F]  }
0x1a: {  	s8 =	sadd.s32 $0xFFFFE003, lr  }
0x1b: {  	s9 =	sadd.s32 $0xFFFFFEF7, lr;
	s5 =	simm.s32 $0xFFFFFFFF;
	p2 =	slt.u32 s8, $0xFFFFF086  }
0x1c: {  	p1 =	slt.u32 s9, $0xF7A;
	s5 =	simm.s32 @!p2 $0x0  }
0x1d: {  	s5 =	simm.s32 @p1 $0x1;
	p0 =	seq.s32 s7, s2  }
0x1e: {  	s7 =	smul.u32 @!p0 $0xF7A, s2;
	p2 =	seq.s32 @!p0 s5, $0x0  }
0x1f: {  	s9 =	smul.u32 $0xF7A, s1;
	s8 =	simm.s32 @!p0 $0x1BF5;
	p2 =	por !p2, p0  }
0x20: {  	[sflag:s8] =	ssyncset.s32 @!p0 $0xFFFFF086;
	s6 =	sadd.s32 @!p0 s3, s7;
	s7 =	simm.s32 @!p0 $0x108  }
0x21: {  	s3 =	sadd.s32 s3, s9;
	s6 =	sadd.s32 @!p0 $0x88, s6;
	s7 =	simm.s32 @p2 $0x1082  }
0x22: {  	[simem:s7], [sflag:s8] =	dma.local @!p0 [hbm:s6], $0xF7A  }
0x23: {  	s9 =	sor.u32 $0xD0000000, s2;
	s6 =	simm.s32 $0x108;
	_ =	swait.ge @!p0 [sflag:s8], $0x0  }
0x24: {  	s3 =	sadd.s32 $0x88, s3;
	s6 =	simm.s32 @!p1 $0x1082;
	[sflag:s4] =	ssyncset.s32 $0xFFFFF086  }
0x25: {  	[simem:s6], [sflag:s4] =	dma.local [hbm:s3], $0xF7A  }
0x26: {  	[smem:$0x3F9F] =	sst s1;
	(tag) =	ssettag s2;
	_ =	strace s9  }
0x27: {  	s1 =	sld [smem:$0x3FAF]  }
0x28: {  	s2 =	sld [smem:$0x3FB0]  }
0x29: {  	s4 =	sld [smem:$0x3FB2]  }
0x2a: {  	p0 =	seq.s32 s5, $0x0;
	s5 =	sld [smem:$0x3FB3]  }
0x2b: {  	s6 =	sld [smem:$0x3FB4]  }
0x2c: {  	s7 =	sld [smem:$0x3FB5]  }
0x2d: {  	s3 =	simm.s32 $0x108;
	s8 =	sld [smem:$0x3FB6]  }
0x2e: {  	s3 =	simm.s32 @!p0 $0x1082;
	s9 =	sld [smem:$0x3FB7]  }
0x2f: {  	lr =	sadd.s32 s0, s3;
	s0 =	sld [smem:$0x3FAE]  }
0x30: {  	s3 =	sld [smem:$0x3FB1]  }
0x31: {  	[smem:$0x3FBA] =	sst s10  }
0x32: {  	s10 =	sld [smem:$0x3FB8];
	_ =	sdelay $0x3  }
0x33: {  	p0 =	seq.s32 s10, $0x1;
	s10 =	sld [smem:$0x3FBA];
	_ =	sdelay $0x3  }
0x34: {  	[smem:$0x3FBA] =	sst s10  }
0x35: {  	s10 =	sld [smem:$0x3FB9];
	_ =	sdelay $0x3  }
0x36: {  	p1 =	seq.s32 s10, $0x1;
	s10 =	sld [smem:$0x3FBA];
	_ =	sdelay $0x3  }
0x37: {  	[smem:$0x3FBA] =	sst s10  }
0x38: {  	s10 =	sld [smem:$0x3FBB]  }
0x39: {  	_ = 	snop;
	(pc) =	sbr.ind lr, $3  }
0x3a: {  	_ = 	snop  }
0x3b: {  	_ = 	snop  }
0x3c: {  	p2 =	seq.s32 s10, $0x1;
	s10 =	sld [smem:$0x3FBA]  }
0x3d: {  	_ =	shalt  }
0x3e: {  	_ =	shalt  }
0x3f: {  	_ =	shalt  }
0x40: {  	_ =	shalt  }
0x41: {  	_ =	shalt  }
0x42: {  	_ =	shalt  }
0x43: {  	_ =	shalt  }
0x44: {  	_ =	shalt  }
0x45: {  	_ =	shalt  }
0x46: {  	_ =	shalt  }
0x47: {  	_ =	shalt  }
0x48: {  	_ =	shalt  }
0x49: {  	_ =	shalt  }
0x4a: {  	_ =	shalt  }
0x4b: {  	_ =	shalt  }
0x4c: {  	_ =	shalt  }
0x4d: {  	_ =	shalt  }
0x4e: {  	_ =	shalt  }
0x4f: {  	_ =	shalt  }
0x50: {  	_ =	shalt  }
0x51: {  	_ =	shalt  }
0x52: {  	_ =	shalt  }
0x53: {  	_ =	shalt  }
0x54: {  	_ =	shalt  }
0x55: {  	_ =	shalt  }
0x56: {  	_ =	shalt  }
0x57: {  	_ =	shalt  }
0x58: {  	_ =	shalt  }
0x59: {  	_ =	shalt  }
0x5a: {  	_ =	shalt  }
0x5b: {  	_ =	shalt  }
0x5c: {  	_ =	shalt  }
0x5d: {  	_ =	shalt  }
0x5e: {  	_ =	shalt  }
0x5f: {  	_ =	shalt  }
0x60: {  	_ =	shalt  }
0x61: {  	_ =	shalt  }
0x62: {  	_ =	shalt  }
0x63: {  	_ =	shalt  }
0x64: {  	_ =	shalt  }
0x65: {  	_ =	shalt  }
0x66: {  	_ =	shalt  }
0x67: {  	_ =	shalt  }
0x68: {  	_ =	shalt  }
0x69: {  	_ =	shalt  }
0x6a: {  	_ =	shalt  }
0x6b: {  	_ =	shalt  }
0x6c: {  	_ =	shalt  }
0x6d: {  	_ =	shalt  }
0x6e: {  	_ =	shalt  }
0x6f: {  	_ =	shalt  }
0x70: {  	_ =	shalt  }
0x71: {  	_ =	shalt  }
0x72: {  	_ =	shalt  }
0x73: {  	_ =	shalt  }
0x74: {  	_ =	shalt  }
0x75: {  	_ =	shalt  }
0x76: {  	_ =	shalt  }
0x77: {  	_ =	shalt  }
0x78: {  	_ =	shalt  }
0x79: {  	_ =	shalt  }
0x7a: {  	_ =	shalt  }
0x7b: {  	_ =	shalt  }
0x7c: {  	_ =	shalt  }
0x7d: {  	_ =	shalt  }
0x7e: {  	_ =	shalt  }
0x7f: {  	_ =	shalt  }
0x80: {  	_ =	shalt  }
0x81: {  	_ =	shalt  }
0x82: {  	_ =	shalt  }
0x83: {  	_ =	shalt  }
0x84: {  	_ =	shalt  }
0x85: {  	_ =	shalt  }
0x86: {  	_ =	shalt  }
0x87: {  	_ =	shalt  }
.Lfunc_end0:
.L_simem_size_0:
called_computation_lowered:
.L_overlay_start_0:
0x88: {  	s0 =	sld [smem:$0x3FD9]  }
0x89: {  	s1 =	sld [smem:$0x3FFE];
	_ =	sdelay $0x3  }
0x8a: {  	s0 =	sadd.s32 s1, s0  }
0x8b: {  	s3 =	simm.s32 $0x0;
	[smem:$0x3FC6] =	sst s0  }
0x8c: {  	[smem:$0xF] =	sst s3  }
0x8d: {  	s0 =	sld [smem:$0x3FC9]  }
0x8e: {  	s2 =	sld [smem:$0x3FC8]  }
0x8f: {  	s12 =	sld [smem:$0x3FD0];
	(tm) =	ssettm $0x1  }
0x90: {  	s13 =	sld [smem:$0x3FFB];
	_ =	sdelay $0x3  }
0x91: {  	_ =	strace s13  }
0x92: {  	s3 =	sld [smem:$0x3FFC];
	_ =	sdelay $0x3  }
0x93: {  	_ =	strace s3  }
0x94: {  	s3 =	sld [smem:$0x3FFD];
	_ =	sdelay $0x3  }
0x95: {  	_ =	strace s3  }
0x96: {  	s14 =	simm.s32 $0x1B8B;
	_ =	strace $0x8FFFFFFF  }
0x97: {  	_ =	swait.ge [sflag:s14], $0x1  }
0x98: {  	[sflag:s14] =	ssyncset.done $0x0  }
0x99: {  	s15 =	simm.s32 $0x1B8E;
	[sflag:s14] =	ssyncadd.s32 $0xFFFFFFFF  }
0x9a: {  	[smem:$0x3FD2] =	sst s15  }
0x9b: {  	s16 =	simm.s32 $0xA;
	s4 =	simm.s32 $0x10;
	_ =	strace $0x80000046  }
0x9c: {  	[smem:s4], [sflag:s16] =	dma.local [hbm:s2], $0x10  }
0x9d: {  	_ =	swait.ge [sflag:s16], $0x10  }
0x9e: {  	[sflag:s16] =	ssyncset.done $0x0  }
0x9f: {  	[sflag:s16] =	ssyncadd.s32 $0xFFFFFFF0  }
0xa0: {  	s17 =	sld [smem:$0x10];
	_ =	sdelay $0x2  }
0xa1: {  	s6 =	simm.s32 $0x1  }
0xa2: {  	s19 =	sld [smem:$0x11];
	s18 =	sshll.u32 s17, $0xB;
	s2 =	sshll.u32 s17, $0x7  }
0xa3: {  	s7 =	simm.s32 $0x40;
	s3 =	sand.u32 $0xFFFFC000, s18;
	s2 =	sand.u32 $0x380, s2  }
0xa4: {  	s8 =	simm.s32 $0x80;
	s20 =	sld [smem:$0x12];
	s2 =	sor.u32 s2, s3  }
0xa5: {  	s9 =	simm.s32 $0x9;
	s5 =	sld [smem:$0x13];
	s2 =	sshrl.u32 s2, $0x3  }
0xa6: {  	s21 =	sshll.u32 s19, $0xB;
	s4 =	sshll.u32 s19, $0x7;
	s2 =	sadd.s32 s0, s2  }
0xa7: {  	[hbm:s12@s7], [sflag:s9] =	dma.strided [hbm:s2@s8], $0x100, s6, $0x10   }
0xa8: {  	s4 =	sand.u32 $0x380, s4;
	s2 =	sand.u32 $0xFFFFC000, s21  }
0xa9: {  	s2 =	sor.u32 s4, s2  }
0xaa: {  	s2 =	sadd.s32 $0x1000000, s2  }
0xab: {  	s22 =	sadd.s32 $0x10, s12;
	s2 =	sshrl.u32 s2, $0x3  }
0xac: {  	s23 =	sshll.u32 s20, $0xB;
	s3 =	sshll.u32 s20, $0x7;
	s2 =	sadd.s32 s0, s2  }
0xad: {  	[hbm:s22@s7], [sflag:s9] =	dma.strided [hbm:s2@s8], $0x100, s6, $0x10   }
0xae: {  	s3 =	sand.u32 $0x380, s3;
	s2 =	sand.u32 $0xFFFFC000, s23  }
0xaf: {  	s2 =	sor.u32 s3, s2  }
0xb0: {  	s2 =	sadd.s32 $0x2000000, s2  }
0xb1: {  	s24 =	sadd.s32 $0x20, s12;
	s2 =	sshrl.u32 s2, $0x3  }
0xb2: {  	s25 =	sshll.u32 s5, $0xB;
	s26 =	sshll.u32 s5, $0x7;
	s2 =	sadd.s32 s0, s2  }
0xb3: {  	[hbm:s24@s7], [sflag:s9] =	dma.strided [hbm:s2@s8], $0x100, s6, $0x10   }
0xb4: {  	s3 =	sand.u32 $0x380, s26;
	s2 =	sand.u32 $0xFFFFC000, s25  }
0xb5: {  	s2 =	sor.u32 s3, s2  }
0xb6: {  	s2 =	sadd.s32 $0x3000000, s2  }
0xb7: {  	s2 =	sshrl.u32 s2, $0x3  }
0xb8: {  	s1 =	sadd.s32 $0x30, s12;
	s0 =	sadd.s32 s0, s2  }
0xb9: {  	[hbm:s1@s7], [sflag:s9] =	dma.strided [hbm:s0@s8], $0x100, s6, $0x10   }
0xba: {  	_ =	swait.ge [sflag:s9], $0x100  }
0xbb: {  	[sflag:s9] =	ssyncset.done $0x0  }
0xbc: {  	[sflag:s9] =	ssyncadd.s32 $0xFFFFFF00;
	_ =	sdelay $0x2  }
0xbd: {  	_ =	swait.ge [sflag:s9], $0x100  }
0xbe: {  	[sflag:s9] =	ssyncset.done $0x0  }
0xbf: {  	[sflag:s9] =	ssyncadd.s32 $0xFFFFFF00;
	_ =	sdelay $0x2  }
0xc0: {  	_ =	swait.ge [sflag:s9], $0x100  }
0xc1: {  	[sflag:s9] =	ssyncset.done $0x0  }
0xc2: {  	[sflag:s9] =	ssyncadd.s32 $0xFFFFFF00;
	_ =	sdelay $0x2  }
0xc3: {  	_ =	swait.ge [sflag:s9], $0x100  }
0xc4: {  	[sflag:s9] =	ssyncset.done $0x0  }
0xc5: {  	[sflag:s9] =	ssyncadd.s32 $0xFFFFFF00  }
0xc6: {  	_ =	strace $0x90000046  }
0xc7: {  	_ =	sfence  }
0xc8: {  	s28 =	sld [smem:$0x0];
	_ =	sdelay $0x1  }
0xc9: {  	s29 =	srdreg.scid  }
0xca: {  	s30 =	sshll.u32 s29, $0xD;
	s31 =	sshrl.u32 s29, $0x2  }
0xcb: {  	s2 =	sand.u32 $0x4000, s30;
	s1 =	sand.u32 $0x1, s29;
	s0 =	sadd.s32 s31, s28  }
0xcc: {  	s1 =	sor.u32 s2, s1;
	s0 =	sshll.u32 s0, $0x11  }
0xcd: {  	s0 =	sor.u32 s0, s1  }
0xce: {  	s0 =	sadd.s32 $0x8F2B, s0;
	(pc) =	sbr.abs _section_cstart, $3  }
0xcf: {  	[sflag:s0] =	ssyncadd.remote.s32 $0x1  }
0xd0: {  	_ =	strace $0x9FFFFFFF  }
0xd1: {  	(tm) =	ssettm $0x7FFFFFFF  }

</sc_bundles>
